<compile_context>
chip_gen: v7x
topology: tpu7x:2x2x1
jax: 0.10.2.dev20260603
libtpu: 0.0.44.dev20260713+nightly
codegen_flags: <defaults>
</compile_context>

<pallas_src>
import functools

import jax
import jax.numpy as jnp
from jax import lax
from jax.experimental import pallas as pl
from jax.experimental.pallas import tpu as pltpu
from jax.experimental.pallas import tpu_sc as plsc

_N = 8388608
_NW = 32
_SC_PART = 3145728
_PER_W = _SC_PART // _NW
_SC_CHUNK = 32768
_NCHUNK = _PER_W // _SC_CHUNK
_CNT_BLK = 524288
_TC_OFF = _SC_PART // _CNT_BLK
_TC_GRID = (_N - _SC_PART) // _CNT_BLK
_OUT_BLK = 8192


def _sc_count(x_hbm, out_hbm, buf0, buf1, acc_v, sem0, sem1):
    wid = lax.axis_index("s") * 2 + lax.axis_index("c")
    base = wid * _PER_W
    bufs = (buf0, buf1)
    sems = (sem0, sem1)
    pending = [None, None]
    pending[0] = pltpu.async_copy(x_hbm.at[pl.ds(base, _SC_CHUNK)], buf0, sem0)
    accs = tuple(jnp.zeros((16,), jnp.int32) for _ in range(4))
    for c in range(_NCHUNK):
        if c + 1 < _NCHUNK:
            nb = (c + 1) & 1
            pending[nb] = pltpu.async_copy(
                x_hbm.at[pl.ds(base + (c + 1) * _SC_CHUNK, _SC_CHUNK)],
                bufs[nb], sems[nb])
        pending[c & 1].wait()
        buf = bufs[c & 1]

        def body(i, a, buf=buf):
            a0, a1, a2, a3 = a
            b = i * 256
            for j in range(4):
                o = b + j * 64
                a0 = a0 + buf[pl.ds(o, 16)]
                a1 = a1 + buf[pl.ds(o + 16, 16)]
                a2 = a2 + buf[pl.ds(o + 32, 16)]
                a3 = a3 + buf[pl.ds(o + 48, 16)]
            return (a0, a1, a2, a3)

        accs = lax.fori_loop(0, _SC_CHUNK // 256, body, accs)
    acc_v[...] = accs[0] + accs[1] + accs[2] + accs[3]
    pltpu.sync_copy(acc_v, out_hbm.at[pl.ds(wid * 16, 16)])


_sc_count_call = functools.partial(
    pl.kernel,
    out_type=jax.ShapeDtypeStruct((_NW * 16,), jnp.int32),
    mesh=plsc.VectorSubcoreMesh(core_axis_name="c", subcore_axis_name="s"),
    scratch_types=[
        pltpu.VMEM((_SC_CHUNK,), jnp.int32),
        pltpu.VMEM((_SC_CHUNK,), jnp.int32),
        pltpu.VMEM((16,), jnp.int32),
        pltpu.SemaphoreType.DMA,
        pltpu.SemaphoreType.DMA,
    ],
)(_sc_count)


def _tc_count_kernel(x_ref, tsum_ref, acc_ref):
    i = pl.program_id(0)

    @pl.when(i == 0)
    def _():
        acc_ref[0] = 0

    acc_ref[0] += jnp.sum(x_ref[...])

    @pl.when(i == pl.num_programs(0) - 1)
    def _():
        tsum_ref[0] = acc_ref[0]


def _bcast_kernel(p_ref, t_ref, o_ref, maj_ref):
    @pl.when(pl.program_id(0) == 0)
    def _():
        total = jnp.sum(p_ref[...]) + t_ref[0]
        maj_ref[0] = (2 * total > _N).astype(jnp.int32)

    c = lax.broadcasted_iota(jnp.int32, o_ref.shape, 1)
    o_ref[...] = (c == maj_ref[0]).astype(jnp.float32)


def kernel(x):
    partials = _sc_count_call(x)

    tsum = pl.pallas_call(
        _tc_count_kernel,
        grid=(_TC_GRID,),
        in_specs=[pl.BlockSpec((_CNT_BLK,), lambda i: (i + _TC_OFF,))],
        out_specs=pl.BlockSpec(memory_space=pltpu.SMEM),
        out_shape=jax.ShapeDtypeStruct((1,), jnp.int32),
        scratch_shapes=[pltpu.SMEM((1,), jnp.int32)],
    )(x)

    groups = _N // 128
    pred = pl.pallas_call(
        _bcast_kernel,
        grid=(groups // _OUT_BLK,),
        in_specs=[
            pl.BlockSpec((_NW * 16,), lambda i: (0,)),
            pl.BlockSpec(memory_space=pltpu.SMEM),
        ],
        out_specs=pl.BlockSpec((_OUT_BLK, 2, 128), lambda i: (i, 0, 0)),
        out_shape=jax.ShapeDtypeStruct((groups, 2, 128), jnp.float32),
        scratch_shapes=[pltpu.SMEM((1,), jnp.int32)],
    )(partials, tsum)

    return pred.transpose(0, 2, 1).reshape(_N, 2)

# --- scband reference (transcript-rebuilt; emitter-appended) ---
"""Pipeline reference for scband-model-trivial-28406913695798 (READ-ONLY COPY).

The authoritative reference and input builder live on the scoring server;
editing this copy changes nothing except your own understanding.
"""

import jax, jax.numpy as jnp
import numpy as np

N = 8388608

def setup_inputs(seed: int = 0) -> dict:
    key = jax.random.key(seed)
    x = jax.random.randint(key, (N,), 0, 2, dtype=jnp.int32)
    return {"x": x}

def reference(x):
    # occ = torch.bincount(x); classe_maj = argmax(occ)
    occ = jnp.bincount(x, length=2)
    classe_maj = jnp.argmax(occ)
    # pred = zeros(N, 2); pred[:, classe_maj] = 1  (majority-class one-hot for every row)
    onehot = (jnp.arange(2) == classe_maj).astype(jnp.float32)
    pred = jnp.tile(onehot[None, :], (x.shape[0], 1))
    return pred

if __name__ == "__main__":
    import jax
    _d = setup_inputs()
    print(jax.jit(kernel)(*tuple(_d.values())))

</pallas_src>

<mosaic_0001>
#map = affine_map<(d0, d1) -> (0)>
module attributes {stable_mosaic.version = 14 : i64} {
  func.func @_sc_count(%arg0: i32, %arg1: i32, %arg2: memref<8388608xi32, #tpu.memory_space<hbm>>, %arg3: memref<512xi32, #tpu.memory_space<hbm>>, %arg4: memref<32768xi32, #tpu.memory_space<vmem>>, %arg5: memref<32768xi32, #tpu.memory_space<vmem>>, %arg6: memref<16xi32, #tpu.memory_space<vmem>>, %arg7: memref<!tpu.dma_semaphore, #tpu.memory_space<semaphore_mem>>, %arg8: memref<!tpu.dma_semaphore, #tpu.memory_space<semaphore_mem>>) attributes {dimension_semantics = [#tpu.dimension_semantics<core_parallel>, #tpu.dimension_semantics<subcore_parallel>], iteration_bounds = array<i64: 2, 16>, scalar_prefetch = 0 : i64, scratch_operands = 5 : i64, tpu.core_type = #tpu.core_type<sc_vector_subcore>, window_params = [{transform_indices = #map}, {transform_indices = #map}]} {
    %mul3A = arith.constant 2 : i32
    %mul3A_0 = arith.muli %arg1, %mul3A : i32
    %add3A = arith.addi %mul3A_0, %arg0 : i32
    %mul3A_1 = arith.constant 98304 : i32
    %mul3A_2 = arith.muli %add3A, %mul3A_1 : i32
    %dma_start3A = tpu.memref_slice %arg2[%mul3A_2] : memref<8388608xi32, #tpu.memory_space<hbm>> -> memref<32768xi32, #tpu.memory_space<hbm>>
    %dma_start3A_3 = tpu.memref_slice %arg2[%mul3A_2] : memref<8388608xi32, #tpu.memory_space<hbm>> -> memref<32768xi32, #tpu.memory_space<hbm>>
    tpu.enqueue_dma source(%dma_start3A_3 : memref<32768xi32, #tpu.memory_space<hbm>>) target(%arg4 : memref<32768xi32, #tpu.memory_space<vmem>>) target_semaphore(%arg7 : memref<!tpu.dma_semaphore, #tpu.memory_space<semaphore_mem>>)
    %broadcast_in_dim3A = arith.constant 0 : i32
    %broadcast_in_dim3A_4 = vector.broadcast %broadcast_in_dim3A : i32 to vector<16xi32>
    %broadcast_in_dim3A_5 = arith.constant 0 : i32
    %broadcast_in_dim3A_6 = vector.broadcast %broadcast_in_dim3A_5 : i32 to vector<16xi32>
    %broadcast_in_dim3A_7 = arith.constant 0 : i32
    %broadcast_in_dim3A_8 = vector.broadcast %broadcast_in_dim3A_7 : i32 to vector<16xi32>
    %broadcast_in_dim3A_9 = arith.constant 0 : i32
    %broadcast_in_dim3A_10 = vector.broadcast %broadcast_in_dim3A_9 : i32 to vector<16xi32>
    %add3A_11 = arith.constant 32768 : i32
    %add3A_12 = arith.addi %mul3A_2, %add3A_11 : i32
    %dma_start3A_13 = tpu.memref_slice %arg2[%add3A_12] : memref<8388608xi32, #tpu.memory_space<hbm>> -> memref<32768xi32, #tpu.memory_space<hbm>>
    %dma_start3A_14 = tpu.memref_slice %arg2[%add3A_12] : memref<8388608xi32, #tpu.memory_space<hbm>> -> memref<32768xi32, #tpu.memory_space<hbm>>
    tpu.enqueue_dma source(%dma_start3A_14 : memref<32768xi32, #tpu.memory_space<hbm>>) target(%arg5 : memref<32768xi32, #tpu.memory_space<vmem>>) target_semaphore(%arg8 : memref<!tpu.dma_semaphore, #tpu.memory_space<semaphore_mem>>)
    %dma_wait3A = tpu.memref_slice %arg2[%mul3A_2] : memref<8388608xi32, #tpu.memory_space<hbm>> -> memref<32768xi32, #tpu.memory_space<hbm>>
    %dma_wait3A_15 = tpu.memref_slice %arg2[%mul3A_2] : memref<8388608xi32, #tpu.memory_space<hbm>> -> memref<32768xi32, #tpu.memory_space<hbm>>
    tpu.wait_dma2 semaphore(%arg7 : memref<!tpu.dma_semaphore, #tpu.memory_space<semaphore_mem>>) src(%dma_wait3A_15 : memref<32768xi32, #tpu.memory_space<hbm>>) dst(%arg4 : memref<32768xi32, #tpu.memory_space<vmem>>)
    %scan3A = arith.constant 0 : i32
    %scan3A_16 = arith.constant 128 : i32
    %scan3A_17 = arith.addi %scan3A, %scan3A_16 : i32
    %scan3A_18 = arith.constant 1 : i32
    %scan3A_19:4 = scf.for %scan3A_49 = %scan3A to %scan3A_17 step %scan3A_18 iter_args(%scan3A_50 = %broadcast_in_dim3A_4, %scan3A_51 = %broadcast_in_dim3A_6, %scan3A_52 = %broadcast_in_dim3A_8, %scan3A_53 = %broadcast_in_dim3A_10) -> (vector<16xi32>, vector<16xi32>, vector<16xi32>, vector<16xi32>)  : i32 {
      %mul3A_54 = arith.constant 256 : i32
      %mul3A_55 = arith.muli %scan3A_49, %mul3A_54 : i32
      %add3A_56 = arith.constant 0 : i32
      %add3A_57 = arith.addi %mul3A_55, %add3A_56 : i32
      %get3A = arith.index_cast %add3A_57 : i32 to index
      %get3A_58 = tpu.vector_load %arg4[%get3A] {strides = array<i32>} : memref<32768xi32, #tpu.memory_space<vmem>>, vector<16xi32>,
      %get3A_59 = vector.shape_cast %get3A_58 : vector<16xi32> to vector<16xi32>
      %add3A_60 = arith.addi %scan3A_50, %get3A_59 : vector<16xi32>
      %add3A_61 = arith.constant 16 : i32
      %add3A_62 = arith.addi %add3A_57, %add3A_61 : i32
      %get3A_63 = arith.index_cast %add3A_62 : i32 to index
      %get3A_64 = tpu.vector_load %arg4[%get3A_63] {strides = array<i32>} : memref<32768xi32, #tpu.memory_space<vmem>>, vector<16xi32>,
      %get3A_65 = vector.shape_cast %get3A_64 : vector<16xi32> to vector<16xi32>
      %add3A_66 = arith.addi %scan3A_51, %get3A_65 : vector<16xi32>
      %add3A_67 = arith.constant 32 : i32
      %add3A_68 = arith.addi %add3A_57, %add3A_67 : i32
      %get3A_69 = arith.index_cast %add3A_68 : i32 to index
      %get3A_70 = tpu.vector_load %arg4[%get3A_69] {strides = array<i32>} : memref<32768xi32, #tpu.memory_space<vmem>>, vector<16xi32>,
      %get3A_71 = vector.shape_cast %get3A_70 : vector<16xi32> to vector<16xi32>
      %add3A_72 = arith.addi %scan3A_52, %get3A_71 : vector<16xi32>
      %add3A_73 = arith.constant 48 : i32
      %add3A_74 = arith.addi %add3A_57, %add3A_73 : i32
      %get3A_75 = arith.index_cast %add3A_74 : i32 to index
      %get3A_76 = tpu.vector_load %arg4[%get3A_75] {strides = array<i32>} : memref<32768xi32, #tpu.memory_space<vmem>>, vector<16xi32>,
      %get3A_77 = vector.shape_cast %get3A_76 : vector<16xi32> to vector<16xi32>
      %add3A_78 = arith.addi %scan3A_53, %get3A_77 : vector<16xi32>
      %add3A_79 = arith.constant 64 : i32
      %add3A_80 = arith.addi %mul3A_55, %add3A_79 : i32
      %get3A_81 = arith.index_cast %add3A_80 : i32 to index
      %get3A_82 = tpu.vector_load %arg4[%get3A_81] {strides = array<i32>} : memref<32768xi32, #tpu.memory_space<vmem>>, vector<16xi32>,
      %get3A_83 = vector.shape_cast %get3A_82 : vector<16xi32> to vector<16xi32>
      %add3A_84 = arith.addi %add3A_60, %get3A_83 : vector<16xi32>
      %add3A_85 = arith.constant 16 : i32
      %add3A_86 = arith.addi %add3A_80, %add3A_85 : i32
      %get3A_87 = arith.index_cast %add3A_86 : i32 to index
      %get3A_88 = tpu.vector_load %arg4[%get3A_87] {strides = array<i32>} : memref<32768xi32, #tpu.memory_space<vmem>>, vector<16xi32>,
      %get3A_89 = vector.shape_cast %get3A_88 : vector<16xi32> to vector<16xi32>
      %add3A_90 = arith.addi %add3A_66, %get3A_89 : vector<16xi32>
      %add3A_91 = arith.constant 32 : i32
      %add3A_92 = arith.addi %add3A_80, %add3A_91 : i32
      %get3A_93 = arith.index_cast %add3A_92 : i32 to index
      %get3A_94 = tpu.vector_load %arg4[%get3A_93] {strides = array<i32>} : memref<32768xi32, #tpu.memory_space<vmem>>, vector<16xi32>,
      %get3A_95 = vector.shape_cast %get3A_94 : vector<16xi32> to vector<16xi32>
      %add3A_96 = arith.addi %add3A_72, %get3A_95 : vector<16xi32>
      %add3A_97 = arith.constant 48 : i32
      %add3A_98 = arith.addi %add3A_80, %add3A_97 : i32
      %get3A_99 = arith.index_cast %add3A_98 : i32 to index
      %get3A_100 = tpu.vector_load %arg4[%get3A_99] {strides = array<i32>} : memref<32768xi32, #tpu.memory_space<vmem>>, vector<16xi32>,
      %get3A_101 = vector.shape_cast %get3A_100 : vector<16xi32> to vector<16xi32>
      %add3A_102 = arith.addi %add3A_78, %get3A_101 : vector<16xi32>
      %add3A_103 = arith.constant 128 : i32
      %add3A_104 = arith.addi %mul3A_55, %add3A_103 : i32
      %get3A_105 = arith.index_cast %add3A_104 : i32 to index
      %get3A_106 = tpu.vector_load %arg4[%get3A_105] {strides = array<i32>} : memref<32768xi32, #tpu.memory_space<vmem>>, vector<16xi32>,
      %get3A_107 = vector.shape_cast %get3A_106 : vector<16xi32> to vector<16xi32>
      %add3A_108 = arith.addi %add3A_84, %get3A_107 : vector<16xi32>
      %add3A_109 = arith.constant 16 : i32
      %add3A_110 = arith.addi %add3A_104, %add3A_109 : i32
      %get3A_111 = arith.index_cast %add3A_110 : i32 to index
      %get3A_112 = tpu.vector_load %arg4[%get3A_111] {strides = array<i32>} : memref<32768xi32, #tpu.memory_space<vmem>>, vector<16xi32>,
      %get3A_113 = vector.shape_cast %get3A_112 : vector<16xi32> to vector<16xi32>
      %add3A_114 = arith.addi %add3A_90, %get3A_113 : vector<16xi32>
      %add3A_115 = arith.constant 32 : i32
      %add3A_116 = arith.addi %add3A_104, %add3A_115 : i32
      %get3A_117 = arith.index_cast %add3A_116 : i32 to index
      %get3A_118 = tpu.vector_load %arg4[%get3A_117] {strides = array<i32>} : memref<32768xi32, #tpu.memory_space<vmem>>, vector<16xi32>,
      %get3A_119 = vector.shape_cast %get3A_118 : vector<16xi32> to vector<16xi32>
      %add3A_120 = arith.addi %add3A_96, %get3A_119 : vector<16xi32>
      %add3A_121 = arith.constant 48 : i32
      %add3A_122 = arith.addi %add3A_104, %add3A_121 : i32
      %get3A_123 = arith.index_cast %add3A_122 : i32 to index
      %get3A_124 = tpu.vector_load %arg4[%get3A_123] {strides = array<i32>} : memref<32768xi32, #tpu.memory_space<vmem>>, vector<16xi32>,
      %get3A_125 = vector.shape_cast %get3A_124 : vector<16xi32> to vector<16xi32>
      %add3A_126 = arith.addi %add3A_102, %get3A_125 : vector<16xi32>
      %add3A_127 = arith.constant 192 : i32
      %add3A_128 = arith.addi %mul3A_55, %add3A_127 : i32
      %get3A_129 = arith.index_cast %add3A_128 : i32 to index
      %get3A_130 = tpu.vector_load %arg4[%get3A_129] {strides = array<i32>} : memref<32768xi32, #tpu.memory_space<vmem>>, vector<16xi32>,
      %get3A_131 = vector.shape_cast %get3A_130 : vector<16xi32> to vector<16xi32>
      %add3A_132 = arith.addi %add3A_108, %get3A_131 : vector<16xi32>
      %add3A_133 = arith.constant 16 : i32
      %add3A_134 = arith.addi %add3A_128, %add3A_133 : i32
      %get3A_135 = arith.index_cast %add3A_134 : i32 to index
      %get3A_136 = tpu.vector_load %arg4[%get3A_135] {strides = array<i32>} : memref<32768xi32, #tpu.memory_space<vmem>>, vector<16xi32>,
      %get3A_137 = vector.shape_cast %get3A_136 : vector<16xi32> to vector<16xi32>
      %add3A_138 = arith.addi %add3A_114, %get3A_137 : vector<16xi32>
      %add3A_139 = arith.constant 32 : i32
      %add3A_140 = arith.addi %add3A_128, %add3A_139 : i32
      %get3A_141 = arith.index_cast %add3A_140 : i32 to index
      %get3A_142 = tpu.vector_load %arg4[%get3A_141] {strides = array<i32>} : memref<32768xi32, #tpu.memory_space<vmem>>, vector<16xi32>,
      %get3A_143 = vector.shape_cast %get3A_142 : vector<16xi32> to vector<16xi32>
      %add3A_144 = arith.addi %add3A_120, %get3A_143 : vector<16xi32>
      %add3A_145 = arith.constant 48 : i32
      %add3A_146 = arith.addi %add3A_128, %add3A_145 : i32
      %get3A_147 = arith.index_cast %add3A_146 : i32 to index
      %get3A_148 = tpu.vector_load %arg4[%get3A_147] {strides = array<i32>} : memref<32768xi32, #tpu.memory_space<vmem>>, vector<16xi32>,
      %get3A_149 = vector.shape_cast %get3A_148 : vector<16xi32> to vector<16xi32>
      %add3A_150 = arith.addi %add3A_126, %get3A_149 : vector<16xi32>
      scf.yield %add3A_132, %add3A_138, %add3A_144, %add3A_150 : vector<16xi32>, vector<16xi32>, vector<16xi32>, vector<16xi32>
    }
    %scan3A_20 = arith.constant 128 : i32
    %add3A_21 = arith.constant 65536 : i32
    %add3A_22 = arith.addi %mul3A_2, %add3A_21 : i32
    %dma_start3A_23 = tpu.memref_slice %arg2[%add3A_22] : memref<8388608xi32, #tpu.memory_space<hbm>> -> memref<32768xi32, #tpu.memory_space<hbm>>
    %dma_start3A_24 = tpu.memref_slice %arg2[%add3A_22] : memref<8388608xi32, #tpu.memory_space<hbm>> -> memref<32768xi32, #tpu.memory_space<hbm>>
    tpu.enqueue_dma source(%dma_start3A_24 : memref<32768xi32, #tpu.memory_space<hbm>>) target(%arg4 : memref<32768xi32, #tpu.memory_space<vmem>>) target_semaphore(%arg7 : memref<!tpu.dma_semaphore, #tpu.memory_space<semaphore_mem>>)
    %dma_wait3A_25 = tpu.memref_slice %arg2[%add3A_12] : memref<8388608xi32, #tpu.memory_space<hbm>> -> memref<32768xi32, #tpu.memory_space<hbm>>
    %dma_wait3A_26 = tpu.memref_slice %arg2[%add3A_12] : memref<8388608xi32, #tpu.memory_space<hbm>> -> memref<32768xi32, #tpu.memory_space<hbm>>
    tpu.wait_dma2 semaphore(%arg8 : memref<!tpu.dma_semaphore, #tpu.memory_space<semaphore_mem>>) src(%dma_wait3A_26 : memref<32768xi32, #tpu.memory_space<hbm>>) dst(%arg5 : memref<32768xi32, #tpu.memory_space<vmem>>)
    %scan3A_27 = arith.constant 0 : i32
    %scan3A_28 = arith.constant 128 : i32
    %scan3A_29 = arith.addi %scan3A_27, %scan3A_28 : i32
    %scan3A_30 = arith.constant 1 : i32
    %scan3A_31:4 = scf.for %scan3A_49 = %scan3A_27 to %scan3A_29 step %scan3A_30 iter_args(%scan3A_50 = %scan3A_19#0, %scan3A_51 = %scan3A_19#1, %scan3A_52 = %scan3A_19#2, %scan3A_53 = %scan3A_19#3) -> (vector<16xi32>, vector<16xi32>, vector<16xi32>, vector<16xi32>)  : i32 {
      %mul3A_54 = arith.constant 256 : i32
      %mul3A_55 = arith.muli %scan3A_49, %mul3A_54 : i32
      %add3A_56 = arith.constant 0 : i32
      %add3A_57 = arith.addi %mul3A_55, %add3A_56 : i32
      %get3A = arith.index_cast %add3A_57 : i32 to index
      %get3A_58 = tpu.vector_load %arg5[%get3A] {strides = array<i32>} : memref<32768xi32, #tpu.memory_space<vmem>>, vector<16xi32>,
      %get3A_59 = vector.shape_cast %get3A_58 : vector<16xi32> to vector<16xi32>
      %add3A_60 = arith.addi %scan3A_50, %get3A_59 : vector<16xi32>
      %add3A_61 = arith.constant 16 : i32
      %add3A_62 = arith.addi %add3A_57, %add3A_61 : i32
      %get3A_63 = arith.index_cast %add3A_62 : i32 to index
      %get3A_64 = tpu.vector_load %arg5[%get3A_63] {strides = array<i32>} : memref<32768xi32, #tpu.memory_space<vmem>>, vector<16xi32>,
      %get3A_65 = vector.shape_cast %get3A_64 : vector<16xi32> to vector<16xi32>
      %add3A_66 = arith.addi %scan3A_51, %get3A_65 : vector<16xi32>
      %add3A_67 = arith.constant 32 : i32
      %add3A_68 = arith.addi %add3A_57, %add3A_67 : i32
      %get3A_69 = arith.index_cast %add3A_68 : i32 to index
      %get3A_70 = tpu.vector_load %arg5[%get3A_69] {strides = array<i32>} : memref<32768xi32, #tpu.memory_space<vmem>>, vector<16xi32>,
      %get3A_71 = vector.shape_cast %get3A_70 : vector<16xi32> to vector<16xi32>
      %add3A_72 = arith.addi %scan3A_52, %get3A_71 : vector<16xi32>
      %add3A_73 = arith.constant 48 : i32
      %add3A_74 = arith.addi %add3A_57, %add3A_73 : i32
      %get3A_75 = arith.index_cast %add3A_74 : i32 to index
      %get3A_76 = tpu.vector_load %arg5[%get3A_75] {strides = array<i32>} : memref<32768xi32, #tpu.memory_space<vmem>>, vector<16xi32>,
      %get3A_77 = vector.shape_cast %get3A_76 : vector<16xi32> to vector<16xi32>
      %add3A_78 = arith.addi %scan3A_53, %get3A_77 : vector<16xi32>
      %add3A_79 = arith.constant 64 : i32
      %add3A_80 = arith.addi %mul3A_55, %add3A_79 : i32
      %get3A_81 = arith.index_cast %add3A_80 : i32 to index
      %get3A_82 = tpu.vector_load %arg5[%get3A_81] {strides = array<i32>} : memref<32768xi32, #tpu.memory_space<vmem>>, vector<16xi32>,
      %get3A_83 = vector.shape_cast %get3A_82 : vector<16xi32> to vector<16xi32>
      %add3A_84 = arith.addi %add3A_60, %get3A_83 : vector<16xi32>
      %add3A_85 = arith.constant 16 : i32
      %add3A_86 = arith.addi %add3A_80, %add3A_85 : i32
      %get3A_87 = arith.index_cast %add3A_86 : i32 to index
      %get3A_88 = tpu.vector_load %arg5[%get3A_87] {strides = array<i32>} : memref<32768xi32, #tpu.memory_space<vmem>>, vector<16xi32>,
      %get3A_89 = vector.shape_cast %get3A_88 : vector<16xi32> to vector<16xi32>
      %add3A_90 = arith.addi %add3A_66, %get3A_89 : vector<16xi32>
      %add3A_91 = arith.constant 32 : i32
      %add3A_92 = arith.addi %add3A_80, %add3A_91 : i32
      %get3A_93 = arith.index_cast %add3A_92 : i32 to index
      %get3A_94 = tpu.vector_load %arg5[%get3A_93] {strides = array<i32>} : memref<32768xi32, #tpu.memory_space<vmem>>, vector<16xi32>,
      %get3A_95 = vector.shape_cast %get3A_94 : vector<16xi32> to vector<16xi32>
      %add3A_96 = arith.addi %add3A_72, %get3A_95 : vector<16xi32>
      %add3A_97 = arith.constant 48 : i32
      %add3A_98 = arith.addi %add3A_80, %add3A_97 : i32
      %get3A_99 = arith.index_cast %add3A_98 : i32 to index
      %get3A_100 = tpu.vector_load %arg5[%get3A_99] {strides = array<i32>} : memref<32768xi32, #tpu.memory_space<vmem>>, vector<16xi32>,
      %get3A_101 = vector.shape_cast %get3A_100 : vector<16xi32> to vector<16xi32>
      %add3A_102 = arith.addi %add3A_78, %get3A_101 : vector<16xi32>
      %add3A_103 = arith.constant 128 : i32
      %add3A_104 = arith.addi %mul3A_55, %add3A_103 : i32
      %get3A_105 = arith.index_cast %add3A_104 : i32 to index
      %get3A_106 = tpu.vector_load %arg5[%get3A_105] {strides = array<i32>} : memref<32768xi32, #tpu.memory_space<vmem>>, vector<16xi32>,
      %get3A_107 = vector.shape_cast %get3A_106 : vector<16xi32> to vector<16xi32>
      %add3A_108 = arith.addi %add3A_84, %get3A_107 : vector<16xi32>
      %add3A_109 = arith.constant 16 : i32
      %add3A_110 = arith.addi %add3A_104, %add3A_109 : i32
      %get3A_111 = arith.index_cast %add3A_110 : i32 to index
      %get3A_112 = tpu.vector_load %arg5[%get3A_111] {strides = array<i32>} : memref<32768xi32, #tpu.memory_space<vmem>>, vector<16xi32>,
      %get3A_113 = vector.shape_cast %get3A_112 : vector<16xi32> to vector<16xi32>
      %add3A_114 = arith.addi %add3A_90, %get3A_113 : vector<16xi32>
      %add3A_115 = arith.constant 32 : i32
      %add3A_116 = arith.addi %add3A_104, %add3A_115 : i32
      %get3A_117 = arith.index_cast %add3A_116 : i32 to index
      %get3A_118 = tpu.vector_load %arg5[%get3A_117] {strides = array<i32>} : memref<32768xi32, #tpu.memory_space<vmem>>, vector<16xi32>,
      %get3A_119 = vector.shape_cast %get3A_118 : vector<16xi32> to vector<16xi32>
      %add3A_120 = arith.addi %add3A_96, %get3A_119 : vector<16xi32>
      %add3A_121 = arith.constant 48 : i32
      %add3A_122 = arith.addi %add3A_104, %add3A_121 : i32
      %get3A_123 = arith.index_cast %add3A_122 : i32 to index
      %get3A_124 = tpu.vector_load %arg5[%get3A_123] {strides = array<i32>} : memref<32768xi32, #tpu.memory_space<vmem>>, vector<16xi32>,
      %get3A_125 = vector.shape_cast %get3A_124 : vector<16xi32> to vector<16xi32>
      %add3A_126 = arith.addi %add3A_102, %get3A_125 : vector<16xi32>
      %add3A_127 = arith.constant 192 : i32
      %add3A_128 = arith.addi %mul3A_55, %add3A_127 : i32
      %get3A_129 = arith.index_cast %add3A_128 : i32 to index
      %get3A_130 = tpu.vector_load %arg5[%get3A_129] {strides = array<i32>} : memref<32768xi32, #tpu.memory_space<vmem>>, vector<16xi32>,
      %get3A_131 = vector.shape_cast %get3A_130 : vector<16xi32> to vector<16xi32>
      %add3A_132 = arith.addi %add3A_108, %get3A_131 : vector<16xi32>
      %add3A_133 = arith.constant 16 : i32
      %add3A_134 = arith.addi %add3A_128, %add3A_133 : i32
      %get3A_135 = arith.index_cast %add3A_134 : i32 to index
      %get3A_136 = tpu.vector_load %arg5[%get3A_135] {strides = array<i32>} : memref<32768xi32, #tpu.memory_space<vmem>>, vector<16xi32>,
      %get3A_137 = vector.shape_cast %get3A_136 : vector<16xi32> to vector<16xi32>
      %add3A_138 = arith.addi %add3A_114, %get3A_137 : vector<16xi32>
      %add3A_139 = arith.constant 32 : i32
      %add3A_140 = arith.addi %add3A_128, %add3A_139 : i32
      %get3A_141 = arith.index_cast %add3A_140 : i32 to index
      %get3A_142 = tpu.vector_load %arg5[%get3A_141] {strides = array<i32>} : memref<32768xi32, #tpu.memory_space<vmem>>, vector<16xi32>,
      %get3A_143 = vector.shape_cast %get3A_142 : vector<16xi32> to vector<16xi32>
      %add3A_144 = arith.addi %add3A_120, %get3A_143 : vector<16xi32>
      %add3A_145 = arith.constant 48 : i32
      %add3A_146 = arith.addi %add3A_128, %add3A_145 : i32
      %get3A_147 = arith.index_cast %add3A_146 : i32 to index
      %get3A_148 = tpu.vector_load %arg5[%get3A_147] {strides = array<i32>} : memref<32768xi32, #tpu.memory_space<vmem>>, vector<16xi32>,
      %get3A_149 = vector.shape_cast %get3A_148 : vector<16xi32> to vector<16xi32>
      %add3A_150 = arith.addi %add3A_126, %get3A_149 : vector<16xi32>
      scf.yield %add3A_132, %add3A_138, %add3A_144, %add3A_150 : vector<16xi32>, vector<16xi32>, vector<16xi32>, vector<16xi32>
    }
    %scan3A_32 = arith.constant 128 : i32
    %dma_wait3A_33 = tpu.memref_slice %arg2[%add3A_22] : memref<8388608xi32, #tpu.memory_space<hbm>> -> memref<32768xi32, #tpu.memory_space<hbm>>
    %dma_wait3A_34 = tpu.memref_slice %arg2[%add3A_22] : memref<8388608xi32, #tpu.memory_space<hbm>> -> memref<32768xi32, #tpu.memory_space<hbm>>
    tpu.wait_dma2 semaphore(%arg7 : memref<!tpu.dma_semaphore, #tpu.memory_space<semaphore_mem>>) src(%dma_wait3A_34 : memref<32768xi32, #tpu.memory_space<hbm>>) dst(%arg4 : memref<32768xi32, #tpu.memory_space<vmem>>)
    %scan3A_35 = arith.constant 0 : i32
    %scan3A_36 = arith.constant 128 : i32
    %scan3A_37 = arith.addi %scan3A_35, %scan3A_36 : i32
    %scan3A_38 = arith.constant 1 : i32
    %scan3A_39:4 = scf.for %scan3A_49 = %scan3A_35 to %scan3A_37 step %scan3A_38 iter_args(%scan3A_50 = %scan3A_31#0, %scan3A_51 = %scan3A_31#1, %scan3A_52 = %scan3A_31#2, %scan3A_53 = %scan3A_31#3) -> (vector<16xi32>, vector<16xi32>, vector<16xi32>, vector<16xi32>)  : i32 {
      %mul3A_54 = arith.constant 256 : i32
      %mul3A_55 = arith.muli %scan3A_49, %mul3A_54 : i32
      %add3A_56 = arith.constant 0 : i32
      %add3A_57 = arith.addi %mul3A_55, %add3A_56 : i32
      %get3A = arith.index_cast %add3A_57 : i32 to index
      %get3A_58 = tpu.vector_load %arg4[%get3A] {strides = array<i32>} : memref<32768xi32, #tpu.memory_space<vmem>>, vector<16xi32>,
      %get3A_59 = vector.shape_cast %get3A_58 : vector<16xi32> to vector<16xi32>
      %add3A_60 = arith.addi %scan3A_50, %get3A_59 : vector<16xi32>
      %add3A_61 = arith.constant 16 : i32
      %add3A_62 = arith.addi %add3A_57, %add3A_61 : i32
      %get3A_63 = arith.index_cast %add3A_62 : i32 to index
      %get3A_64 = tpu.vector_load %arg4[%get3A_63] {strides = array<i32>} : memref<32768xi32, #tpu.memory_space<vmem>>, vector<16xi32>,
      %get3A_65 = vector.shape_cast %get3A_64 : vector<16xi32> to vector<16xi32>
      %add3A_66 = arith.addi %scan3A_51, %get3A_65 : vector<16xi32>
      %add3A_67 = arith.constant 32 : i32
      %add3A_68 = arith.addi %add3A_57, %add3A_67 : i32
      %get3A_69 = arith.index_cast %add3A_68 : i32 to index
      %get3A_70 = tpu.vector_load %arg4[%get3A_69] {strides = array<i32>} : memref<32768xi32, #tpu.memory_space<vmem>>, vector<16xi32>,
      %get3A_71 = vector.shape_cast %get3A_70 : vector<16xi32> to vector<16xi32>
      %add3A_72 = arith.addi %scan3A_52, %get3A_71 : vector<16xi32>
      %add3A_73 = arith.constant 48 : i32
      %add3A_74 = arith.addi %add3A_57, %add3A_73 : i32
      %get3A_75 = arith.index_cast %add3A_74 : i32 to index
      %get3A_76 = tpu.vector_load %arg4[%get3A_75] {strides = array<i32>} : memref<32768xi32, #tpu.memory_space<vmem>>, vector<16xi32>,
      %get3A_77 = vector.shape_cast %get3A_76 : vector<16xi32> to vector<16xi32>
      %add3A_78 = arith.addi %scan3A_53, %get3A_77 : vector<16xi32>
      %add3A_79 = arith.constant 64 : i32
      %add3A_80 = arith.addi %mul3A_55, %add3A_79 : i32
      %get3A_81 = arith.index_cast %add3A_80 : i32 to index
      %get3A_82 = tpu.vector_load %arg4[%get3A_81] {strides = array<i32>} : memref<32768xi32, #tpu.memory_space<vmem>>, vector<16xi32>,
      %get3A_83 = vector.shape_cast %get3A_82 : vector<16xi32> to vector<16xi32>
      %add3A_84 = arith.addi %add3A_60, %get3A_83 : vector<16xi32>
      %add3A_85 = arith.constant 16 : i32
      %add3A_86 = arith.addi %add3A_80, %add3A_85 : i32
      %get3A_87 = arith.index_cast %add3A_86 : i32 to index
      %get3A_88 = tpu.vector_load %arg4[%get3A_87] {strides = array<i32>} : memref<32768xi32, #tpu.memory_space<vmem>>, vector<16xi32>,
      %get3A_89 = vector.shape_cast %get3A_88 : vector<16xi32> to vector<16xi32>
      %add3A_90 = arith.addi %add3A_66, %get3A_89 : vector<16xi32>
      %add3A_91 = arith.constant 32 : i32
      %add3A_92 = arith.addi %add3A_80, %add3A_91 : i32
      %get3A_93 = arith.index_cast %add3A_92 : i32 to index
      %get3A_94 = tpu.vector_load %arg4[%get3A_93] {strides = array<i32>} : memref<32768xi32, #tpu.memory_space<vmem>>, vector<16xi32>,
      %get3A_95 = vector.shape_cast %get3A_94 : vector<16xi32> to vector<16xi32>
      %add3A_96 = arith.addi %add3A_72, %get3A_95 : vector<16xi32>
      %add3A_97 = arith.constant 48 : i32
      %add3A_98 = arith.addi %add3A_80, %add3A_97 : i32
      %get3A_99 = arith.index_cast %add3A_98 : i32 to index
      %get3A_100 = tpu.vector_load %arg4[%get3A_99] {strides = array<i32>} : memref<32768xi32, #tpu.memory_space<vmem>>, vector<16xi32>,
      %get3A_101 = vector.shape_cast %get3A_100 : vector<16xi32> to vector<16xi32>
      %add3A_102 = arith.addi %add3A_78, %get3A_101 : vector<16xi32>
      %add3A_103 = arith.constant 128 : i32
      %add3A_104 = arith.addi %mul3A_55, %add3A_103 : i32
      %get3A_105 = arith.index_cast %add3A_104 : i32 to index
      %get3A_106 = tpu.vector_load %arg4[%get3A_105] {strides = array<i32>} : memref<32768xi32, #tpu.memory_space<vmem>>, vector<16xi32>,
      %get3A_107 = vector.shape_cast %get3A_106 : vector<16xi32> to vector<16xi32>
      %add3A_108 = arith.addi %add3A_84, %get3A_107 : vector<16xi32>
      %add3A_109 = arith.constant 16 : i32
      %add3A_110 = arith.addi %add3A_104, %add3A_109 : i32
      %get3A_111 = arith.index_cast %add3A_110 : i32 to index
      %get3A_112 = tpu.vector_load %arg4[%get3A_111] {strides = array<i32>} : memref<32768xi32, #tpu.memory_space<vmem>>, vector<16xi32>,
      %get3A_113 = vector.shape_cast %get3A_112 : vector<16xi32> to vector<16xi32>
      %add3A_114 = arith.addi %add3A_90, %get3A_113 : vector<16xi32>
      %add3A_115 = arith.constant 32 : i32
      %add3A_116 = arith.addi %add3A_104, %add3A_115 : i32
      %get3A_117 = arith.index_cast %add3A_116 : i32 to index
      %get3A_118 = tpu.vector_load %arg4[%get3A_117] {strides = array<i32>} : memref<32768xi32, #tpu.memory_space<vmem>>, vector<16xi32>,
      %get3A_119 = vector.shape_cast %get3A_118 : vector<16xi32> to vector<16xi32>
      %add3A_120 = arith.addi %add3A_96, %get3A_119 : vector<16xi32>
      %add3A_121 = arith.constant 48 : i32
      %add3A_122 = arith.addi %add3A_104, %add3A_121 : i32
      %get3A_123 = arith.index_cast %add3A_122 : i32 to index
      %get3A_124 = tpu.vector_load %arg4[%get3A_123] {strides = array<i32>} : memref<32768xi32, #tpu.memory_space<vmem>>, vector<16xi32>,
      %get3A_125 = vector.shape_cast %get3A_124 : vector<16xi32> to vector<16xi32>
      %add3A_126 = arith.addi %add3A_102, %get3A_125 : vector<16xi32>
      %add3A_127 = arith.constant 192 : i32
      %add3A_128 = arith.addi %mul3A_55, %add3A_127 : i32
      %get3A_129 = arith.index_cast %add3A_128 : i32 to index
      %get3A_130 = tpu.vector_load %arg4[%get3A_129] {strides = array<i32>} : memref<32768xi32, #tpu.memory_space<vmem>>, vector<16xi32>,
      %get3A_131 = vector.shape_cast %get3A_130 : vector<16xi32> to vector<16xi32>
      %add3A_132 = arith.addi %add3A_108, %get3A_131 : vector<16xi32>
      %add3A_133 = arith.constant 16 : i32
      %add3A_134 = arith.addi %add3A_128, %add3A_133 : i32
      %get3A_135 = arith.index_cast %add3A_134 : i32 to index
      %get3A_136 = tpu.vector_load %arg4[%get3A_135] {strides = array<i32>} : memref<32768xi32, #tpu.memory_space<vmem>>, vector<16xi32>,
      %get3A_137 = vector.shape_cast %get3A_136 : vector<16xi32> to vector<16xi32>
      %add3A_138 = arith.addi %add3A_114, %get3A_137 : vector<16xi32>
      %add3A_139 = arith.constant 32 : i32
      %add3A_140 = arith.addi %add3A_128, %add3A_139 : i32
      %get3A_141 = arith.index_cast %add3A_140 : i32 to index
      %get3A_142 = tpu.vector_load %arg4[%get3A_141] {strides = array<i32>} : memref<32768xi32, #tpu.memory_space<vmem>>, vector<16xi32>,
      %get3A_143 = vector.shape_cast %get3A_142 : vector<16xi32> to vector<16xi32>
      %add3A_144 = arith.addi %add3A_120, %get3A_143 : vector<16xi32>
      %add3A_145 = arith.constant 48 : i32
      %add3A_146 = arith.addi %add3A_128, %add3A_145 : i32
      %get3A_147 = arith.index_cast %add3A_146 : i32 to index
      %get3A_148 = tpu.vector_load %arg4[%get3A_147] {strides = array<i32>} : memref<32768xi32, #tpu.memory_space<vmem>>, vector<16xi32>,
      %get3A_149 = vector.shape_cast %get3A_148 : vector<16xi32> to vector<16xi32>
      %add3A_150 = arith.addi %add3A_126, %get3A_149 : vector<16xi32>
      scf.yield %add3A_132, %add3A_138, %add3A_144, %add3A_150 : vector<16xi32>, vector<16xi32>, vector<16xi32>, vector<16xi32>
    }
    %scan3A_40 = arith.constant 128 : i32
    %add3A_41 = arith.addi %scan3A_39#0, %scan3A_39#1 : vector<16xi32>
    %add3A_42 = arith.addi %add3A_41, %scan3A_39#2 : vector<16xi32>
    %add3A_43 = arith.addi %add3A_42, %scan3A_39#3 : vector<16xi32>
    %swap3A = arith.constant 0 : index
    %swap3A_44 = tpu.vector_load %arg6[%swap3A] {strides = array<i32>} : memref<16xi32, #tpu.memory_space<vmem>>, vector<16xi32>,
    %swap3A_45 = vector.shape_cast %swap3A_44 : vector<16xi32> to vector<16xi32>
    %swap3A_46 = vector.shape_cast %add3A_43 : vector<16xi32> to vector<16xi32>
    tpu.vector_store %arg6[%swap3A], %swap3A_46 {strides = array<i32>} : memref<16xi32, #tpu.memory_space<vmem>>, vector<16xi32>,
    %mul3A_47 = arith.constant 16 : i32
    %mul3A_48 = arith.muli %add3A, %mul3A_47 : i32
    "tpu.region"() ({
      %run_scoped3A = tpu.sem_alloc : memref<!tpu.dma_semaphore, #tpu.memory_space<semaphore_mem>>
      %dma_start3A_49 = tpu.memref_slice %arg3[%mul3A_48] : memref<512xi32, #tpu.memory_space<hbm>> -> memref<16xi32, #tpu.memory_space<hbm>>
      %dma_start3A_50 = tpu.memref_slice %arg3[%mul3A_48] : memref<512xi32, #tpu.memory_space<hbm>> -> memref<16xi32, #tpu.memory_space<hbm>>
      tpu.enqueue_dma source(%arg6 : memref<16xi32, #tpu.memory_space<vmem>>) target(%dma_start3A_50 : memref<16xi32, #tpu.memory_space<hbm>>) target_semaphore(%run_scoped3A : memref<!tpu.dma_semaphore, #tpu.memory_space<semaphore_mem>>)
      %dma_wait3A_51 = tpu.memref_slice %arg3[%mul3A_48] : memref<512xi32, #tpu.memory_space<hbm>> -> memref<16xi32, #tpu.memory_space<hbm>>
      %dma_wait3A_52 = tpu.memref_slice %arg3[%mul3A_48] : memref<512xi32, #tpu.memory_space<hbm>> -> memref<16xi32, #tpu.memory_space<hbm>>
      tpu.wait_dma2 semaphore(%run_scoped3A : memref<!tpu.dma_semaphore, #tpu.memory_space<semaphore_mem>>) src(%arg6 : memref<16xi32, #tpu.memory_space<vmem>>) dst(%dma_wait3A_52 : memref<16xi32, #tpu.memory_space<hbm>>)
      tpu.yield
    }) : () -> ()
    return
  }
}

module attributes {stable_mosaic.version = 14 : i64} {
  func.func @_bcast_kernel(%arg0: i32, %arg1: memref<512xi32, #tpu.memory_space<vmem>>, %arg2: memref<1xi32, #tpu.memory_space<smem>>, %arg3: memref<8192x2x128xf32, #tpu.memory_space<vmem>>, %arg4: memref<1xi32, #tpu.memory_space<smem>>) attributes {dimension_semantics = [#tpu.dimension_semantics<arbitrary>], iteration_bounds = array<i64: 8>, scalar_prefetch = 0 : i64, scratch_operands = 1 : i64, tpu.core_type = #tpu.core_type<tc>, window_params = [{pipeline_mode = #tpu.pipeline_mode<synchronous>, transform_indices = @transform_0, window_bounds = array<i64: 512>}, {transform_indices = @transform_1, window_bounds = array<i64: 1>}, {transform_indices = @transform_2, window_bounds = array<i64: 8192, 2, 128>}]} {
    %eq3A = arith.constant 0 : i32
    %eq3A_0 = arith.cmpi eq, %arg0, %eq3A : i32
    %convert_element_type3A = arith.extui %eq3A_0 : i1 to i32
    %cond3A = arith.constant 0 : i32
    %cond3A_1 = arith.cmpi ne, %convert_element_type3A, %cond3A : i32
    scf.if %cond3A_1 {
      %get3A_10 = arith.constant 0 : index
      %get3A_11 = vector.load %arg1[%get3A_10] : memref<512xi32, #tpu.memory_space<vmem>>, vector<512xi32>
      %reduce_sum3A = vector.shape_cast %get3A_11 : vector<512xi32> to vector<1x512xi32>
      %reduce_sum3A_12 = arith.constant dense<0> : vector<1xi32>
      %reduce_sum3A_13 = vector.multi_reduction <add>, %reduce_sum3A, %reduce_sum3A_12 [1] : vector<1x512xi32> to vector<1xi32>
      %reduce_sum3A_14 = vector.shape_cast %reduce_sum3A_13 : vector<1xi32> to vector<1x1xi32>
      %reduce_sum3A_15 = vector.extract %reduce_sum3A_14[0, 0] : i32 from vector<1x1xi32>
      %get3A_16 = arith.constant 0 : index
      %get3A_17 = memref.load %arg2[%get3A_16] : memref<1xi32, #tpu.memory_space<smem>>
      %add3A = arith.addi %reduce_sum3A_15, %get3A_17 : i32
      %mul3A = arith.constant 2 : i32
      %mul3A_18 = arith.muli %mul3A, %add3A : i32
      %gt3A = arith.constant 8388608 : i32
      %gt3A_19 = arith.cmpi sgt, %mul3A_18, %gt3A : i32
      %convert_element_type3A_20 = arith.extui %gt3A_19 : i1 to i32
      %swap3A_21 = arith.constant 0 : index
      %swap3A_22 = memref.load %arg4[%swap3A_21] : memref<1xi32, #tpu.memory_space<smem>>
      memref.store %convert_element_type3A_20, %arg4[%swap3A_21] : memref<1xi32, #tpu.memory_space<smem>>
    } else {
    }
    %iota3A = tpu.iota {dimensions = array<i32: 1>} : vector<8192x2x128xi32>
    %get3A = arith.constant 0 : index
    %get3A_2 = memref.load %arg4[%get3A] : memref<1xi32, #tpu.memory_space<smem>>
    %eq3A_3 = vector.broadcast %get3A_2 : i32 to vector<8192x2x128xi32>
    %eq3A_4 = arith.cmpi eq, %iota3A, %eq3A_3 : vector<8192x2x128xi32>
    %convert_element_type3A_5 = arith.extui %eq3A_4 : vector<8192x2x128xi1> to vector<8192x2x128xi32>
    %convert_element_type3A_6 = arith.sitofp %convert_element_type3A_5 : vector<8192x2x128xi32> to vector<8192x2x128xf32>
    %swap3A = arith.constant 0 : index
    %swap3A_7 = arith.constant 0 : index
    %swap3A_8 = arith.constant 0 : index
    %swap3A_9 = vector.load %arg3[%swap3A, %swap3A_7, %swap3A_8] : memref<8192x2x128xf32, #tpu.memory_space<vmem>>, vector<8192x2x128xf32>
    tpu.vector_store %arg3[%swap3A, %swap3A_7, %swap3A_8], %convert_element_type3A_6 {strides = array<i32>} : memref<8192x2x128xf32, #tpu.memory_space<vmem>>, vector<8192x2x128xf32>,
    return
  }
  func.func @transform_0(%arg0: i32) -> i32 {
    %c0_i32 = arith.constant 0 : i32
    %c0_i32_0 = arith.constant 0 : i32
    return %c0_i32 : i32
  }
  func.func @transform_1(%arg0: i32) -> i32 {
    %c0_i32 = arith.constant 0 : i32
    %c0_i32_0 = arith.constant 0 : i32
    return %c0_i32 : i32
  }
  func.func @transform_2(%arg0: i32) -> (i32, i32, i32) {
    %c0_i32 = arith.constant 0 : i32
    %c0_i32_0 = arith.constant 0 : i32
    %c0_i32_1 = arith.constant 0 : i32
    return %arg0, %c0_i32, %c0_i32_0 : i32, i32, i32
  }
}

module attributes {stable_mosaic.version = 14 : i64} {
  func.func @_tc_count_kernel(%arg0: i32, %arg1: memref<524288xi32, #tpu.memory_space<vmem>>, %arg2: memref<1xi32, #tpu.memory_space<smem>>, %arg3: memref<1xi32, #tpu.memory_space<smem>>) attributes {dimension_semantics = [#tpu.dimension_semantics<arbitrary>], iteration_bounds = array<i64: 10>, scalar_prefetch = 0 : i64, scratch_operands = 1 : i64, tpu.core_type = #tpu.core_type<tc>, window_params = [{transform_indices = @transform_0, window_bounds = array<i64: 524288>}, {transform_indices = @transform_1, window_bounds = array<i64: 1>}]} {
    %eq3A = arith.constant 0 : i32
    %eq3A_0 = arith.cmpi eq, %arg0, %eq3A : i32
    %convert_element_type3A = arith.extui %eq3A_0 : i1 to i32
    %cond3A = arith.constant 0 : i32
    %cond3A_1 = arith.cmpi ne, %convert_element_type3A, %cond3A : i32
    scf.if %cond3A_1 {
      %swap3A_15 = arith.constant 0 : i32
      %swap3A_16 = arith.constant 0 : index
      %swap3A_17 = memref.load %arg3[%swap3A_16] : memref<1xi32, #tpu.memory_space<smem>>
      memref.store %swap3A_15, %arg3[%swap3A_16] : memref<1xi32, #tpu.memory_space<smem>>
    } else {
    }
    %get3A = arith.constant 0 : index
    %get3A_2 = memref.load %arg3[%get3A] : memref<1xi32, #tpu.memory_space<smem>>
    %get3A_3 = arith.constant 0 : index
    %get3A_4 = vector.load %arg1[%get3A_3] : memref<524288xi32, #tpu.memory_space<vmem>>, vector<524288xi32>
    %reduce_sum3A = vector.shape_cast %get3A_4 : vector<524288xi32> to vector<1x524288xi32>
    %reduce_sum3A_5 = arith.constant dense<0> : vector<1xi32>
    %reduce_sum3A_6 = vector.multi_reduction <add>, %reduce_sum3A, %reduce_sum3A_5 [1] : vector<1x524288xi32> to vector<1xi32>
    %reduce_sum3A_7 = vector.shape_cast %reduce_sum3A_6 : vector<1xi32> to vector<1x1xi32>
    %reduce_sum3A_8 = vector.extract %reduce_sum3A_7[0, 0] : i32 from vector<1x1xi32>
    %add3A = arith.addi %get3A_2, %reduce_sum3A_8 : i32
    %swap3A = arith.constant 0 : index
    %swap3A_9 = memref.load %arg3[%swap3A] : memref<1xi32, #tpu.memory_space<smem>>
    memref.store %add3A, %arg3[%swap3A] : memref<1xi32, #tpu.memory_space<smem>>
    %eq3A_10 = arith.constant 9 : i32
    %eq3A_11 = arith.cmpi eq, %arg0, %eq3A_10 : i32
    %convert_element_type3A_12 = arith.extui %eq3A_11 : i1 to i32
    %cond3A_13 = arith.constant 0 : i32
    %cond3A_14 = arith.cmpi ne, %convert_element_type3A_12, %cond3A_13 : i32
    scf.if %cond3A_14 {
      %get3A_15 = arith.constant 0 : index
      %get3A_16 = memref.load %arg3[%get3A_15] : memref<1xi32, #tpu.memory_space<smem>>
      %swap3A_17 = arith.constant 0 : index
      %swap3A_18 = memref.load %arg2[%swap3A_17] : memref<1xi32, #tpu.memory_space<smem>>
      memref.store %get3A_16, %arg2[%swap3A_17] : memref<1xi32, #tpu.memory_space<smem>>
    } else {
    }
    return
  }
  func.func @transform_0(%arg0: i32) -> i32 {
    %add3A = arith.constant 6 : i32
    %add3A_0 = arith.addi %arg0, %add3A : i32
    %c0_i32 = arith.constant 0 : i32
    return %add3A_0 : i32
  }
  func.func @transform_1(%arg0: i32) -> i32 {
    %c0_i32 = arith.constant 0 : i32
    %c0_i32_0 = arith.constant 0 : i32
    return %c0_i32 : i32
  }
}

</mosaic_0001>

<sc_bundles>
// kernel: kernel.5.cloned.1.call-start
scs
__scs_entry_jumppad:
0x0: {  	(pc) =	sbr.rel $0x88, $3  }
0x1: {  	(tag) =	ssettag $0x0;
	lr =	simm.s32 $0x1  }
0x2: {  	[smem:$0x3FA0] =	sst lr;
	_ =	strace $0xD0000000  }
0x3: {  	_ = 	snop  }
0x4: {  	_ = 	snop  }
0x5: {  	_ = 	snop  }
0x6: {  	_ = 	snop  }
0x7: {  	_ = 	snop  }
__scs_overlays_trampoline_lowered:
0x8: {  	[smem:$0x3FAF] =	sst s0  }
0x9: {  	[smem:$0x3FB0] =	sst s1  }
0xa: {  	[smem:$0x3FB1] =	sst s2  }
0xb: {  	[smem:$0x3FB2] =	sst s3  }
0xc: {  	[smem:$0x3FB3] =	sst s4  }
0xd: {  	[smem:$0x3FB4] =	sst s5  }
0xe: {  	[smem:$0x3FB5] =	sst s6  }
0xf: {  	[smem:$0x3FB6] =	sst s7  }
0x10: {  	[smem:$0x3FB7] =	sst s8  }
0x11: {  	[smem:$0x3FB8] =	sst s9;
	s0 =	simm.s32 @!p0 $0x0  }
0x12: {  	s1 =	sld [smem:$0x3F9E];
	s0 =	simm.s32 @p0 $0x1  }
0x13: {  	[smem:$0x3FB9] =	sst s0;
	s0 =	simm.s32 @!p1 $0x0  }
0x14: {  	s2 =	sld [smem:$0x3F9D];
	s0 =	simm.s32 @p1 $0x1  }
0x15: {  	[smem:$0x3FBA] =	sst s0;
	s0 =	simm.s32 @!p2 $0x0  }
0x16: {  	s3 =	sld [smem:$0x3FDB];
	s0 =	simm.s32 @p2 $0x1  }
0x17: {  	s4 =	simm.s32 $0x1BF5;
	[smem:$0x3FBC] =	sst s0  }
0x18: {  	s0 =	sld [smem:$0x3F9F];
	_ =	swait.ge [sflag:s4], $0x0  }
0x19: {  	s7 =	sld [smem:$0x3FA0]  }
0x1a: {  	s8 =	sadd.s32 $0xFFFFE003, lr  }
0x1b: {  	s9 =	sadd.s32 $0xFFFFFEF7, lr;
	s5 =	simm.s32 $0xFFFFFFFF;
	p2 =	slt.u32 s8, $0xFFFFF086  }
0x1c: {  	p1 =	slt.u32 s9, $0xF7A;
	s5 =	simm.s32 @!p2 $0x0  }
0x1d: {  	s5 =	simm.s32 @p1 $0x1;
	p0 =	seq.s32 s7, s2  }
0x1e: {  	s7 =	smul.u32 @!p0 $0xF7A, s2;
	p2 =	seq.s32 @!p0 s5, $0x0  }
0x1f: {  	s9 =	smul.u32 $0xF7A, s1;
	s8 =	simm.s32 @!p0 $0x1BF5;
	p2 =	por !p2, p0  }
0x20: {  	[sflag:s8] =	ssyncset.s32 @!p0 $0xFFFFF086;
	s6 =	sadd.s32 @!p0 s3, s7;
	s7 =	simm.s32 @!p0 $0x108  }
0x21: {  	s3 =	sadd.s32 s3, s9;
	s6 =	sadd.s32 @!p0 $0x88, s6;
	s7 =	simm.s32 @p2 $0x1082  }
0x22: {  	[simem:s7], [sflag:s8] =	dma.local @!p0 [hbm:s6], $0xF7A  }
0x23: {  	s9 =	sor.u32 $0xD0000000, s2;
	s6 =	simm.s32 $0x108;
	_ =	swait.ge @!p0 [sflag:s8], $0x0  }
0x24: {  	s3 =	sadd.s32 $0x88, s3;
	s6 =	simm.s32 @!p1 $0x1082;
	[sflag:s4] =	ssyncset.s32 $0xFFFFF086  }
0x25: {  	[simem:s6], [sflag:s4] =	dma.local [hbm:s3], $0xF7A  }
0x26: {  	[smem:$0x3FA0] =	sst s1;
	(tag) =	ssettag s2;
	_ =	strace s9  }
0x27: {  	s1 =	sld [smem:$0x3FB0]  }
0x28: {  	s2 =	sld [smem:$0x3FB1]  }
0x29: {  	s4 =	sld [smem:$0x3FB3]  }
0x2a: {  	p0 =	seq.s32 s5, $0x0;
	s5 =	sld [smem:$0x3FB4]  }
0x2b: {  	s6 =	sld [smem:$0x3FB5]  }
0x2c: {  	s7 =	sld [smem:$0x3FB6]  }
0x2d: {  	s3 =	simm.s32 $0x108;
	s8 =	sld [smem:$0x3FB7]  }
0x2e: {  	s3 =	simm.s32 @!p0 $0x1082;
	s9 =	sld [smem:$0x3FB8]  }
0x2f: {  	lr =	sadd.s32 s0, s3;
	s0 =	sld [smem:$0x3FAF]  }
0x30: {  	s3 =	sld [smem:$0x3FB2]  }
0x31: {  	[smem:$0x3FBB] =	sst s10  }
0x32: {  	s10 =	sld [smem:$0x3FB9];
	_ =	sdelay $0x3  }
0x33: {  	p0 =	seq.s32 s10, $0x1;
	s10 =	sld [smem:$0x3FBB];
	_ =	sdelay $0x3  }
0x34: {  	[smem:$0x3FBB] =	sst s10  }
0x35: {  	s10 =	sld [smem:$0x3FBA];
	_ =	sdelay $0x3  }
0x36: {  	p1 =	seq.s32 s10, $0x1;
	s10 =	sld [smem:$0x3FBB];
	_ =	sdelay $0x3  }
0x37: {  	[smem:$0x3FBB] =	sst s10  }
0x38: {  	s10 =	sld [smem:$0x3FBC]  }
0x39: {  	_ = 	snop;
	(pc) =	sbr.ind lr, $3  }
0x3a: {  	_ = 	snop  }
0x3b: {  	_ = 	snop  }
0x3c: {  	p2 =	seq.s32 s10, $0x1;
	s10 =	sld [smem:$0x3FBB]  }
0x3d: {  	_ =	shalt  }
0x3e: {  	_ =	shalt  }
0x3f: {  	_ =	shalt  }
0x40: {  	_ =	shalt  }
0x41: {  	_ =	shalt  }
0x42: {  	_ =	shalt  }
0x43: {  	_ =	shalt  }
0x44: {  	_ =	shalt  }
0x45: {  	_ =	shalt  }
0x46: {  	_ =	shalt  }
0x47: {  	_ =	shalt  }
0x48: {  	_ =	shalt  }
0x49: {  	_ =	shalt  }
0x4a: {  	_ =	shalt  }
0x4b: {  	_ =	shalt  }
0x4c: {  	_ =	shalt  }
0x4d: {  	_ =	shalt  }
0x4e: {  	_ =	shalt  }
0x4f: {  	_ =	shalt  }
0x50: {  	_ =	shalt  }
0x51: {  	_ =	shalt  }
0x52: {  	_ =	shalt  }
0x53: {  	_ =	shalt  }
0x54: {  	_ =	shalt  }
0x55: {  	_ =	shalt  }
0x56: {  	_ =	shalt  }
0x57: {  	_ =	shalt  }
0x58: {  	_ =	shalt  }
0x59: {  	_ =	shalt  }
0x5a: {  	_ =	shalt  }
0x5b: {  	_ =	shalt  }
0x5c: {  	_ =	shalt  }
0x5d: {  	_ =	shalt  }
0x5e: {  	_ =	shalt  }
0x5f: {  	_ =	shalt  }
0x60: {  	_ =	shalt  }
0x61: {  	_ =	shalt  }
0x62: {  	_ =	shalt  }
0x63: {  	_ =	shalt  }
0x64: {  	_ =	shalt  }
0x65: {  	_ =	shalt  }
0x66: {  	_ =	shalt  }
0x67: {  	_ =	shalt  }
0x68: {  	_ =	shalt  }
0x69: {  	_ =	shalt  }
0x6a: {  	_ =	shalt  }
0x6b: {  	_ =	shalt  }
0x6c: {  	_ =	shalt  }
0x6d: {  	_ =	shalt  }
0x6e: {  	_ =	shalt  }
0x6f: {  	_ =	shalt  }
0x70: {  	_ =	shalt  }
0x71: {  	_ =	shalt  }
0x72: {  	_ =	shalt  }
0x73: {  	_ =	shalt  }
0x74: {  	_ =	shalt  }
0x75: {  	_ =	shalt  }
0x76: {  	_ =	shalt  }
0x77: {  	_ =	shalt  }
0x78: {  	_ =	shalt  }
0x79: {  	_ =	shalt  }
0x7a: {  	_ =	shalt  }
0x7b: {  	_ =	shalt  }
0x7c: {  	_ =	shalt  }
0x7d: {  	_ =	shalt  }
0x7e: {  	_ =	shalt  }
0x7f: {  	_ =	shalt  }
0x80: {  	_ =	shalt  }
0x81: {  	_ =	shalt  }
0x82: {  	_ =	shalt  }
0x83: {  	_ =	shalt  }
0x84: {  	_ =	shalt  }
0x85: {  	_ =	shalt  }
0x86: {  	_ =	shalt  }
0x87: {  	_ =	shalt  }
.Lfunc_end0:
.L_simem_size_0:
called_computation_lowered:
.L_overlay_start_0:
0x88: {  	s2 =	sld [smem:$0x3FD9]  }
0x89: {  	s3 =	sld [smem:$0x3FFE];
	_ =	sdelay $0x1  }
0x8a: {  	s1 =	srdreg.scid  }
0x8b: {  	s0 =	sand.u32 $0x1, s1  }
0x8c: {  	s18 =	sshll.u32 s0, $0xA;
	s2 =	sadd.s32 s3, s2  }
0x8d: {  	s2 =	sadd.s32 s2, s18  }
0x8e: {  	[smem:$0x3FC7] =	sst s2  }
0x8f: {  	_ = 	snop  }
0x90: {  	s2 =	sld [smem:$0x3FC9]  }
0x91: {  	s19 =	sld [smem:$0x3FD0];
	(tm) =	ssettm $0x1  }
0x92: {  	s4 =	sld [smem:$0x3FFB];
	_ =	sdelay $0x3  }
0x93: {  	_ =	strace s4  }
0x94: {  	s4 =	sld [smem:$0x3FFC];
	_ =	sdelay $0x3  }
0x95: {  	_ =	strace s4  }
0x96: {  	s4 =	sld [smem:$0x3FFD];
	_ =	sdelay $0x3  }
0x97: {  	_ =	strace s4  }
0x98: {  	_ =	strace $0x8FFFFFFF  }
0x99: {  	s20 =	sld [smem:$0x3FDB];
	_ =	sdelay $0x1  }
0x9a: {  	s5 =	simm.s32 $_scs_section_size  }
0x9b: {  	s6 =	simm.s32 $_size__tile_overlayer_lowered;
	s7 =	simm.s32 $_tile_overlayer_lowered  }
0x9c: {  	s23 =	simm.s32 $0x1BFF;
	s22 =	sshll.u32 s7, $0x1;
	s4 =	sadd.s32 s5, s20  }
0x9d: {  	s8 =	simm.s32 $0x0;
	s21 =	sshll.u32 s6, $0x1;
	s6 =	sadd.s32 s22, s4  }
0x9e: {  	[timem:s8], [sflag:s23] =	dma.local [hbm:s6], s21  }
0x9f: {  	_ =	swait.ge [sflag:s23], s21  }
0xa0: {  	s5 =	ssub.s32 $0x0, s21;
	[sflag:s23] =	ssyncset.done $0x0  }
0xa1: {  	[sflag:s23] =	ssyncadd.s32 s5;
	_ =	sdelay $0x1  }
0xa2: {  	s24 =	simm.s32 $0x1B8B  }
0xa3: {  	_ =	swait.ge [sflag:s24], $0x1  }
0xa4: {  	[sflag:s24] =	ssyncset.done $0x0  }
0xa5: {  	s25 =	simm.s32 $0x1B8E;
	[sflag:s24] =	ssyncadd.s32 $0xFFFFFFFF  }
0xa6: {  	s26 =	simm.s32 $execute0_lowered;
	[smem:$0x3FD2] =	sst s25  }
0xa7: {  	s5 =	sshll.u32 s26, $0x1;
	_ =	strace $0x80000046;
	[dreg:$0x1] =	wrdreg $0xFFFFFFFF  }
0xa8: {  	s28 =	simm.s32 $_size_execute0_lowered;
	s4 =	sadd.s32 s4, s5;
	[dreg:$0x0] =	wrdreg $0x0  }
0xa9: {  	s5 =	sshll.u32 s28, $0x1;
	[dreg:$0x2] =	wrdreg s4  }
0xaa: {  	[dreg:$0x3] =	wrdreg s5  }
0xab: {  	[dreg:$0x4] =	wrdreg $0xC0  }
0xac: {  	_ =	task [dreg:s8], $0x5FFFF  }
0xad: {  	[dreg:$0x1] =	wrdreg $0xFFFFFFFF  }
0xae: {  	[dreg:$0x0] =	wrdreg $0x60  }
0xaf: {  	[dreg:$0x2] =	wrdreg s2  }
0xb0: {  	[dreg:$0x3] =	wrdreg s19  }
0xb1: {  	[dreg:$0x4] =	wrdreg $0x9  }
0xb2: {  	_ =	task.clear_ibuf [dreg:s8], $0x5FFFF;
	_ =	strace $0x90000046  }
0xb3: {  	s29 =	simm.s32 $0x9;
	_ =	strace $0x80000048  }
0xb4: {  	_ =	swait.ge [sflag:s29], $0x1  }
0xb5: {  	[sflag:s29] =	ssyncadd.s32 $0xFFFFFFFF  }
0xb6: {  	_ =	strace $0x90000048  }
0xb7: {  	_ =	sfence  }
0xb8: {  	s30 =	sld [smem:$0x0];
	_ =	sdelay $0x2  }
0xb9: {  	s31 =	sshll.u32 s1, $0xD;
	s1 =	sshrl.u32 s1, $0x2  }
0xba: {  	s3 =	sand.u32 $0x4000, s31;
	s1 =	sadd.s32 s1, s30  }
0xbb: {  	s0 =	sor.u32 s3, s0;
	s1 =	sshll.u32 s1, $0x11  }
0xbc: {  	s0 =	sor.u32 s1, s0  }
0xbd: {  	s0 =	sadd.s32 $0x8F2B, s0  }
0xbe: {  	[sflag:s0] =	ssyncadd.remote.s32 $0x1  }
0xbf: {  	_ =	sfence.sel $0xFFFF  }
0xc0: {  	[dreg:$0x0] =	wrdreg $0xFFFFFFFF;
	(pc) =	sbr.abs _section_cstart, $3  }
0xc1: {  	[dreg:$0x1] =	wrdreg $0xFFFFFFFF  }
0xc2: {  	_ =	task.clear_ibuf [dreg:s8], $0x2FFFF;
	_ =	strace $0x9FFFFFFF  }
0xc3: {  	(tm) =	ssettm $0x7FFFFFFF  }
tec
execute0_lowered:
.L_overlay_start_1:
0x0: {  	(tag) =	ssettag $0x1  }
0x1: {  	s1 =	srdreg.scid;
	s4 =	rddreg [dreg:$0x0]  }
0x2: {  	s0 =	stileid.u32;
	s6 =	rddreg [dreg:$0x1]  }
0x3: {  	s2 =	simm.s32 $0x0;
	s9 =	simm.s32 $0x1;
	s10 =	simm.s32 $0x2  }
0x4: {  	s11 =	simm.s32 $0x10000;
	s3 =	sand.u32 $0x1, s1;
	s28 =	sshll.u32 s0, $0x1  }
0x5: {  	s12 =	simm.s32 $0x3;
	s1 =	rddreg [dreg:$0x2];
	s5 =	sor.u32 s3, s28  }
0x6: {  	s13 =	simm.s32 $0x0;
	[smem:$0x7FF] =	sst s2;
	s7 =	smul.u32 $0x18000, s5  }
0x7: {  	s8 =	ssub.s32 $0x2, s3;
	_ =	strace $0x80000047;
	s31 =	sshll.u32 s5, $0x1  }
0x8: {  	s30 =	sshrl.u32 s8, $0x1;
	s6 =	sadd.s32 s6, s31;
	s29 =	sshrl.u32 s7, $0x3  }
0x9: {  	s7 =	ssub.s32 s8, s30;
	s8 =	simm.s32 $0x8000;
	s3 =	sadd.s32 s4, s29  }
0xa: {  	s7 =	smax.u32 s7, $0x1;
	s4 =	sadd.s32 $0x1000, s3;
	s5 =	sadd.s32 $0x2000, s3  }
.LBB2_1:
0xb: {  	[tilespmem:s2], [sflag:$0x1] =	stream.linear.gather [hbm4b:s3+s2], $0x8000, $0x38;
	[tilespmem:$0x10080] =	vst v63  }
0xc: {  	_ = 	snop  }
0xd: {  	[tilespmem:s8], [sflag:$0x2] =	stream.linear.gather [hbm4b:s4+s2], $0x8000, $0x38;
	[tilespmem:$0x10080] =	vst v63  }
0xe: {  	_ =	swait.ge [sflag:s9], $0x8000  }
0xf: {  	[sflag:s9] =	ssyncset.done $0x0  }
0x10: {  	s14 =	simm.s32 $0x0;
	[sflag:s9] =	ssyncadd.s32 $0xFFFF8000  }
0x11: {  	v8 =	vld [tilespmem:s14+$0xC0]  }
0x12: {  	v4 =	vld [tilespmem:s14+$0xD0]  }
0x13: {  	v6 =	vld [tilespmem:s14+$0xE0]  }
0x14: {  	v11 =	vld [tilespmem:s14+$0x80]  }
0x15: {  	v7 =	vld [tilespmem:s14+$0x90]  }
0x16: {  	v9 =	vld [tilespmem:s14+$0xA0]  }
0x17: {  	v5 =	vld [tilespmem:s14+$0x40]  }
0x18: {  	v12 =	vld [tilespmem:s14+$0x50]  }
0x19: {  	v17 =	vld [tilespmem:s14+$0x0]  }
0x1a: {  	v13 =	vld [tilespmem:s14+$0x60]  }
0x1b: {  	v2 =	vimm.s32 $0x0;
	v18 =	vld [tilespmem:s14+$0x10]  }
0x1c: {  	s15 =	simm.s32 $0x400;
	v14 =	vimm.s32 $0x0;
	v15 =	vimm.s32 $0x0;
	v16 =	vimm.s32 $0x0;
	v19 =	vld [tilespmem:s14+$0x20]  }
.LBB2_2:
0x1d: {  	p0 =	sne.s32 s15, $0x1FC00;
	v0 =	vld [tilespmem:s14+$0x30]  }
0x1e: {  	v1 =	vadd.s32 v2, v17;
	v3 =	vld [tilespmem:s14+$0x70]  }
0x1f: {  	v1 =	vadd.s32 v5, v1;
	v5 =	vld [tilespmem:s14+$0xB0]  }
0x20: {  	v1 =	vadd.s32 v11, v1;
	v10 =	vld [tilespmem:s14+$0xF0];
	s14 =	sshra.s32 s15, $0x2  }
0x21: {  	v2 =	vadd.s32 v8, v1;
	v8 =	vld [tilespmem:s14+$0xC0]  }
0x22: {  	v11 =	vadd.s32 v14, v18;
	v14 =	vadd.s32 v15, v19;
	v1 =	vld [tilespmem:s14+$0xD0];
	v0 =	vadd.s32 v16, v0  }
0x23: {  	v12 =	vadd.s32 v12, v11;
	v13 =	vadd.s32 v13, v14;
	v17 =	vld [tilespmem:s14+$0xE0];
	v0 =	vadd.s32 v3, v0  }
0x24: {  	v3 =	vadd.s32 v7, v12;
	v9 =	vadd.s32 v9, v13;
	v11 =	vld [tilespmem:s14+$0x80];
	v0 =	vadd.s32 v5, v0  }
0x25: {  	v14 =	vadd.s32 v4, v3;
	v15 =	vadd.s32 v6, v9;
	v7 =	vld [tilespmem:s14+$0x90];
	v16 =	vadd.s32 v10, v0  }
0x26: {  	v9 =	vld [tilespmem:s14+$0xA0]  }
0x27: {  	v5 =	vld [tilespmem:s14+$0x40];
	v4 =	vmov v1  }
.Ltmp0:
0x28: {  	v12 =	vld [tilespmem:s14+$0x50];
	v6 =	vmov v17;
	(pc) =	sbr.rel @p0 .LBB2_2-.Ltmp0, $4  }
0x29: {  	v17 =	vld [tilespmem:s14+$0x0]  }
0x2a: {  	v13 =	vld [tilespmem:s14+$0x60]  }
0x2b: {  	v18 =	vld [tilespmem:s14+$0x10]  }
0x2c: {  	s15 =	sadd.s32 $0x400, s15;
	v19 =	vld [tilespmem:s14+$0x20]  }
0x2d: {  	v20 =	vld [tilespmem:s14+$0x30]  }
0x2e: {  	v21 =	vld [tilespmem:s14+$0x70]  }
0x2f: {  	v22 =	vld [tilespmem:s14+$0xB0];
	s31 =	simm.s32 $0x0  }
0x30: {  	v23 =	vld [tilespmem:s14+$0xF0];
	[tilespmem:s31], [sflag:$0x1] =	stream.linear.gather [hbm4b:s5+s31], $0x8000, $0x38  }
0x31: {  	_ =	swait.ge [sflag:s10], $0x8000  }
0x32: {  	[sflag:s10] =	ssyncset.done $0x0  }
0x33: {  	s14 =	simm.s32 $0x0;
	[sflag:s10] =	ssyncadd.s32 $0xFFFF8000  }
0x34: {  	v3 =	vld [tilespmem:s14+$0x80C0]  }
0x35: {  	v0 =	vld [tilespmem:s14+$0x80D0]  }
0x36: {  	v1 =	vld [tilespmem:s14+$0x80E0]  }
0x37: {  	v10 =	vld [tilespmem:s14+$0x8080]  }
0x38: {  	v17 =	vadd.s32 v2, v17;
	v2 =	vld [tilespmem:s14+$0x8090]  }
0x39: {  	v17 =	vadd.s32 v5, v17;
	v5 =	vld [tilespmem:s14+$0x80A0]  }
0x3a: {  	v11 =	vadd.s32 v11, v17;
	v17 =	vld [tilespmem:s14+$0x8040]  }
0x3b: {  	v8 =	vadd.s32 v8, v11;
	v11 =	vld [tilespmem:s14+$0x8050]  }
0x3c: {  	v14 =	vadd.s32 v14, v18;
	v15 =	vadd.s32 v15, v19;
	v16 =	vadd.s32 v16, v20;
	v20 =	vld [tilespmem:s14+$0x8000]  }
0x3d: {  	v12 =	vadd.s32 v12, v14;
	v14 =	vadd.s32 v13, v15;
	v13 =	vld [tilespmem:s14+$0x8060];
	v15 =	vadd.s32 v21, v16  }
0x3e: {  	v7 =	vadd.s32 v7, v12;
	v18 =	vld [tilespmem:s14+$0x8010];
	v9 =	vadd.s32 v9, v14;
	v12 =	vadd.s32 v22, v15  }
0x3f: {  	s15 =	simm.s32 $0x400;
	v19 =	vld [tilespmem:s14+$0x8020];
	v14 =	vadd.s32 v4, v7;
	v15 =	vadd.s32 v6, v9;
	v16 =	vadd.s32 v23, v12  }
.LBB2_4:
0x40: {  	p0 =	sne.s32 s15, $0x1FC00;
	v4 =	vld [tilespmem:s14+$0x8030]  }
0x41: {  	v6 =	vadd.s32 v8, v20;
	v7 =	vld [tilespmem:s14+$0x8070]  }
0x42: {  	v6 =	vadd.s32 v17, v6;
	v9 =	vld [tilespmem:s14+$0x80B0]  }
0x43: {  	v6 =	vadd.s32 v10, v6;
	v12 =	vld [tilespmem:s14+$0x80F0];
	s14 =	sshra.s32 s15, $0x2  }
0x44: {  	v8 =	vadd.s32 v3, v6;
	v3 =	vld [tilespmem:s14+$0x80C0]  }
0x45: {  	v10 =	vadd.s32 v14, v18;
	v14 =	vadd.s32 v15, v19;
	v6 =	vld [tilespmem:s14+$0x80D0];
	v4 =	vadd.s32 v16, v4  }
0x46: {  	v11 =	vadd.s32 v11, v10;
	v13 =	vadd.s32 v13, v14;
	v18 =	vld [tilespmem:s14+$0x80E0];
	v4 =	vadd.s32 v7, v4  }
0x47: {  	v7 =	vadd.s32 v2, v11;
	v5 =	vadd.s32 v5, v13;
	v10 =	vld [tilespmem:s14+$0x8080];
	v4 =	vadd.s32 v9, v4  }
0x48: {  	v14 =	vadd.s32 v0, v7;
	v15 =	vadd.s32 v1, v5;
	v2 =	vld [tilespmem:s14+$0x8090];
	v16 =	vadd.s32 v12, v4  }
0x49: {  	v5 =	vld [tilespmem:s14+$0x80A0]  }
0x4a: {  	v17 =	vld [tilespmem:s14+$0x8040];
	v0 =	vmov v6  }
.Ltmp1:
0x4b: {  	v11 =	vld [tilespmem:s14+$0x8050];
	v1 =	vmov v18;
	(pc) =	sbr.rel @p0 .LBB2_4-.Ltmp1, $4  }
0x4c: {  	v20 =	vld [tilespmem:s14+$0x8000]  }
0x4d: {  	v13 =	vld [tilespmem:s14+$0x8060]  }
0x4e: {  	v18 =	vld [tilespmem:s14+$0x8010]  }
0x4f: {  	s15 =	sadd.s32 $0x400, s15;
	v19 =	vld [tilespmem:s14+$0x8020]  }
0x50: {  	v21 =	vld [tilespmem:s14+$0x8030]  }
0x51: {  	v22 =	vld [tilespmem:s14+$0x8070]  }
0x52: {  	v23 =	vld [tilespmem:s14+$0x80B0]  }
0x53: {  	v24 =	vld [tilespmem:s14+$0x80F0];
	_ =	swait.ge [sflag:s9], $0x8000  }
0x54: {  	[sflag:s9] =	ssyncset.done $0x0  }
0x55: {  	s14 =	simm.s32 $0x0;
	[sflag:s9] =	ssyncadd.s32 $0xFFFF8000  }
0x56: {  	v7 =	vld [tilespmem:s14+$0xC0]  }
0x57: {  	v4 =	vld [tilespmem:s14+$0xD0]  }
0x58: {  	v6 =	vld [tilespmem:s14+$0xE0]  }
0x59: {  	v12 =	vld [tilespmem:s14+$0x80]  }
0x5a: {  	v9 =	vadd.s32 v8, v20;
	v8 =	vld [tilespmem:s14+$0x90]  }
0x5b: {  	v17 =	vadd.s32 v17, v9;
	v9 =	vld [tilespmem:s14+$0xA0]  }
0x5c: {  	v10 =	vadd.s32 v10, v17;
	v17 =	vld [tilespmem:s14+$0x40]  }
0x5d: {  	v18 =	vadd.s32 v14, v18;
	v14 =	vld [tilespmem:s14+$0x0]  }
0x5e: {  	v3 =	vadd.s32 v3, v10;
	v10 =	vld [tilespmem:s14+$0x50];
	v15 =	vadd.s32 v15, v19;
	v16 =	vadd.s32 v16, v21  }
0x5f: {  	v18 =	vadd.s32 v11, v18;
	v11 =	vld [tilespmem:s14+$0x60];
	v13 =	vadd.s32 v13, v15;
	v15 =	vadd.s32 v22, v16  }
0x60: {  	v2 =	vadd.s32 v2, v18;
	v13 =	vadd.s32 v5, v13;
	v5 =	vld [tilespmem:s14+$0x10];
	v15 =	vadd.s32 v23, v15  }
0x61: {  	s15 =	simm.s32 $0x400;
	v2 =	vadd.s32 v0, v2;
	v1 =	vadd.s32 v1, v13;
	v13 =	vld [tilespmem:s14+$0x20];
	v0 =	vadd.s32 v24, v15  }
.LBB2_6:
0x62: {  	p0 =	sne.s32 s15, $0x1FC00;
	v15 =	vld [tilespmem:s14+$0x30]  }
0x63: {  	v3 =	vadd.s32 v3, v14;
	v14 =	vld [tilespmem:s14+$0x70]  }
0x64: {  	v3 =	vadd.s32 v17, v3;
	v16 =	vld [tilespmem:s14+$0xB0]  }
0x65: {  	v3 =	vadd.s32 v12, v3;
	v17 =	vld [tilespmem:s14+$0xF0];
	s14 =	sshra.s32 s15, $0x2  }
0x66: {  	v3 =	vadd.s32 v7, v3;
	v7 =	vld [tilespmem:s14+$0xC0]  }
0x67: {  	v2 =	vadd.s32 v2, v5;
	v1 =	vadd.s32 v1, v13;
	v18 =	vld [tilespmem:s14+$0xD0];
	v0 =	vadd.s32 v0, v15  }
0x68: {  	v2 =	vadd.s32 v10, v2;
	v1 =	vadd.s32 v11, v1;
	v5 =	vld [tilespmem:s14+$0xE0];
	v0 =	vadd.s32 v14, v0  }
0x69: {  	v2 =	vadd.s32 v8, v2;
	v1 =	vadd.s32 v9, v1;
	v12 =	vld [tilespmem:s14+$0x80];
	v0 =	vadd.s32 v16, v0  }
0x6a: {  	v2 =	vadd.s32 v4, v2;
	v1 =	vadd.s32 v6, v1;
	v8 =	vld [tilespmem:s14+$0x90];
	v0 =	vadd.s32 v17, v0  }
0x6b: {  	v9 =	vld [tilespmem:s14+$0xA0]  }
0x6c: {  	v17 =	vld [tilespmem:s14+$0x40];
	v4 =	vmov v18  }
.Ltmp2:
0x6d: {  	v10 =	vld [tilespmem:s14+$0x50];
	v6 =	vmov v5;
	(pc) =	sbr.rel @p0 .LBB2_6-.Ltmp2, $4  }
0x6e: {  	v14 =	vld [tilespmem:s14+$0x0]  }
0x6f: {  	v11 =	vld [tilespmem:s14+$0x60]  }
0x70: {  	v5 =	vld [tilespmem:s14+$0x10]  }
0x71: {  	s15 =	sadd.s32 $0x400, s15;
	v13 =	vld [tilespmem:s14+$0x20]  }
0x72: {  	v15 =	vld [tilespmem:s14+$0x30]  }
0x73: {  	v62 =	vld [tilespmem:s14+$0x70];
	v3 =	vadd.s32 v3, v14  }
0x74: {  	v16 =	vld [tilespmem:s14+$0xB0];
	v3 =	vadd.s32 v17, v3  }
0x75: {  	v63 =	vld [tilespmem:s14+$0xF0];
	v3 =	vadd.s32 v12, v3;
	v2 =	vadd.s32 v2, v5  }
0x76: {  	v3 =	vadd.s32 v7, v3;
	v1 =	vadd.s32 v1, v13;
	v2 =	vadd.s32 v10, v2  }
0x77: {  	v0 =	vadd.s32 v0, v15;
	v1 =	vadd.s32 v11, v1;
	v2 =	vadd.s32 v8, v2  }
0x78: {  	v0 =	vadd.s32 v62, v0;
	v1 =	vadd.s32 v9, v1;
	v2 =	vadd.s32 v4, v2  }
0x79: {  	v0 =	vadd.s32 v16, v0;
	v1 =	vadd.s32 v6, v1;
	v2 =	vadd.s32 v3, v2  }
0x7a: {  	s13 =	sadd.s32 $0x1, s13;
	v0 =	vadd.s32 v63, v0;
	v1 =	vadd.s32 v1, v2  }
0x7b: {  	p0 =	sne.s32 s13, s7;
	v0 =	vadd.s32 v0, v1  }
.Ltmp3:
0x7c: {  	[tilespmem:$0x10000] =	vst v0;
	(pc) =	sbr.rel @p0 .LBB2_1-.Ltmp3, $4  }
0x7d: {  	[hbm4b:s6+s2] =	stream.linear.scatter [tilespmem:s11], [sflag:$0x3], $0x10, $0x38;
	[tilespmem:$0x10080] =	vst v63  }
0x7e: {  	_ =	swait.ge [sflag:s12], $0x10  }
0x7f: {  	[sflag:s12] =	ssyncset.done $0x0  }
0x80: {  	[sflag:s12] =	ssyncadd.s32 $0xFFFFFFF0  }
0x81: {  	_ =	sfence.sel $0x180000  }
0x82: {  	[bflag:$0x0] =	sbarrier.arrive $0xFFFF  }
0x83: {  	p0 =	sne.s32 s0, $0x0;
	_ =	strace $0x90000047  }
0x84: {  	s0 =	sadd.s32 @!p0 $0x100000, s1;
	[bflag:$0x2] =	sbarrier.arrive $0xFFFF  }
0x85: {  	[sflag:s0] =	ssyncadd.tile.s32 @!p0 $0x1;
	_ =	shalt  }
.Lfunc_end2:
_tile_overlayer_lowered:
.L_overlay_start_2:
0x86: {  	(tag) =	ssettag $0x2  }
0x87: {  	s0 =	rddreg [dreg:$0x0];
	s2 =	stileid.u32  }
0x88: {  	s1 =	rddreg [dreg:$0x1];
	p0 =	sne.s32 s2, $0x0  }
0x89: {  	s3 =	rddreg [dreg:$0x2];
	[bflag:$0x3] =	sbarrier.arrive $0xFFFF;
	s2 =	simm.s32 @!p0 $0x1C03  }
0x8a: {  	[timem:s3], [sflag:s2] =	dma.local @!p0 [hbm:s0], s1  }
0x8b: {  	s0 =	simm.s32 @!p0 $0x3  }
0x8c: {  	_ =	swait.ge @!p0 [sflag:s0], s1  }
0x8d: {  	s1 =	ssub.s32 @!p0 $0x0, s1;
	[sflag:s0] =	ssyncset.done @!p0 $0x0  }
0x8e: {  	[sflag:s0] =	ssyncadd.s32 @!p0 s1  }
0x8f: {  	[bflag:$0x3] =	sbarrier.arrive $0xFFFF  }
0x90: {  	_ =	shalt  }

</sc_bundles>
